<compile_context>
chip_gen: v7x
topology: tpu7x:2x2x1
jax: 0.10.2.dev20260603
libtpu: 0.0.44.dev20260713+nightly
codegen_flags: <defaults>
</compile_context>

<pallas_src>
import functools

import jax
import jax.numpy as jnp
from jax import lax
from jax.experimental import pallas as pl
from jax.experimental.pallas import tpu as pltpu
from jax.experimental.pallas import tpu_sc as plsc

_NC = 2
_NS = 16
_NW = _NC * _NS


@functools.lru_cache(maxsize=None)
def _sc_hist(n_edges: int, n_bins: int):
    body = n_edges // _NW
    assert body * _NW == n_edges and body % 16 == 0 and body % 8 == 0
    mesh = plsc.VectorSubcoreMesh(core_axis_name="c", subcore_axis_name="s")

    @functools.partial(
        pl.kernel,
        mesh=mesh,
        out_type=[
            jax.ShapeDtypeStruct((_NC, n_bins), jnp.float32),
            jax.ShapeDtypeStruct((_NC, n_bins), jnp.float32),
        ],
        scratch_types=[
            pltpu.VMEM((body,), jnp.int32),
            pltpu.VMEM((body,), jnp.int32),
            pltpu.VMEM((body,), jnp.float32),
            pltpu.VMEM((body,), jnp.float32),
            pltpu.VMEM_SHARED((n_bins,), jnp.float32),
            pltpu.VMEM_SHARED((n_bins,), jnp.float32),
            pltpu.SemaphoreType.DMA,
            pltpu.SemaphoreType.DMA,
        ],
    )
    def k(ei_hbm, zeros_hbm, deg_out, cnt_out,
          src_v, dst_row, val_v, ones_v, deg_sh, cnt_sh,
          sem_in, sem_sc):
        c = lax.axis_index("c")
        s = lax.axis_index("s")
        wid = c * _NS + s

        hs = pltpu.async_copy(ei_hbm.at[pl.ds(wid * body, body)],
                              src_v, sem_in)
        hd = pltpu.async_copy(ei_hbm.at[pl.ds(n_edges + wid * body, body)],
                              dst_row, sem_in)

        one16 = jnp.full((16,), 1.0, jnp.float32)
        zero16 = jnp.zeros((16,), jnp.float32)

        @pl.when(s == 0)
        def _zero():
            pltpu.sync_copy(zeros_hbm, deg_sh)
            pltpu.sync_copy(zeros_hbm, cnt_sh)

        def mkones(j, carry):
            ones_v[pl.ds(j * 16, 16)] = one16
            return carry

        lax.fori_loop(0, body // 16, mkones, 0)

        hs.wait()
        hd.wait()
        plsc.subcore_barrier()

        hdeg = pltpu.async_copy(ones_v, deg_sh.at[dst_row], sem_sc, add=True)

        def mkval(j, carry):
            sl = pl.ds(j * 16, 16)
            val_v[sl] = jnp.where(dst_row[sl] == 0, one16, zero16)
            return carry

        lax.fori_loop(0, body // 16, mkval, 0)

        pltpu.sync_copy(val_v, cnt_sh.at[src_v], add=True)
        hdeg.wait()

        plsc.subcore_barrier()

        @pl.when(s == 0)
        def _out():
            pltpu.sync_copy(deg_sh, deg_out.at[c])
            pltpu.sync_copy(cnt_sh, cnt_out.at[c])

    return k


def _enc_body(x_ref, we_ref, be_ref, enc_ref):
    enc = jnp.maximum(
        jnp.dot(x_ref[...], we_ref[...],
                preferred_element_type=jnp.float32) + be_ref[...],
        0.0)
    enc_ref[...] = enc.astype(jnp.bfloat16)


def _tc_body(enc_ref, degp_ref, cntp_ref, h_ref, wg_ref,
             bg_ref, wih_ref, bih_ref, whh_ref, bhh_ref, out_ref):
    f32 = jnp.float32
    enc = enc_ref[...].astype(f32)

    deg = degp_ref[0:1, :] + degp_ref[1:2, :] + 1.0
    dinv = lax.rsqrt(deg)
    cnt = cntp_ref[0:1, :] + cntp_ref[1:2, :]
    wrow = cnt * dinv

    vsum = jnp.dot(wrow, enc, preferred_element_type=f32)
    dinv0 = dinv[0:1, 0:1]
    v = dinv0 * vsum + (dinv0 * dinv0) * enc[0:1, :]

    agg0 = jnp.dot(v, wg_ref[...], preferred_element_type=f32)
    g = jnp.maximum(agg0 + bg_ref[...], 0.0)

    gi = jnp.dot(g, wih_ref[...], preferred_element_type=f32) + bih_ref[...]
    h0 = h_ref[...]
    gh = jnp.dot(h0, whh_ref[...], preferred_element_type=f32) + bhh_ref[...]
    hdim = h0.shape[1]
    i_r, i_z, i_n = (gi[:, 0:hdim], gi[:, hdim:2 * hdim], gi[:, 2 * hdim:])
    h_r, h_z, h_n = (gh[:, 0:hdim], gh[:, hdim:2 * hdim], gh[:, 2 * hdim:])
    r = jax.nn.sigmoid(i_r + h_r)
    z = jax.nn.sigmoid(i_z + h_z)
    n = jnp.tanh(i_n + r * h_n)
    out_ref[...] = (1.0 - z) * n + z * h0


def kernel(node_features, edge_index, edge_attr, hidden_state,
           W_enc, b_enc, W_gcn, b_gcn, w_ih, b_ih, w_hh, b_hh):
    del edge_attr
    n_nodes, d = node_features.shape
    e = edge_index.shape[1]

    zeros = jnp.zeros((n_nodes,), jnp.float32)
    ei_flat = edge_index.reshape(2 * e)
    degp, cntp = _sc_hist(e, n_nodes)(ei_flat, zeros)

    encb = pl.pallas_call(
        _enc_body,
        out_shape=jax.ShapeDtypeStruct((n_nodes, d), jnp.bfloat16),
    )(node_features, W_enc, b_enc.reshape(1, d))

    return pl.pallas_call(
        _tc_body,
        out_shape=jax.ShapeDtypeStruct((1, hidden_state.shape[1]),
                                       jnp.float32),
    )(encb, degp, cntp, hidden_state,
      W_gcn, b_gcn.reshape(1, d),
      w_ih, b_ih.reshape(1, -1), w_hh, b_hh.reshape(1, -1))

# --- scband reference (transcript-rebuilt; emitter-appended) ---
"""Pipeline reference for scband-stgcnencoder-22471268893029 (READ-ONLY COPY).

The authoritative reference and input builder live on the scoring server;
editing this copy changes nothing except your own understanding.
"""

import jax, jax.numpy as jnp
import numpy as np

N = 10000
E = 320000
D = 128  # node_feature_dim == GNN_EMBEDDING_DIM
H = 128  # RNN_HIDDEN_DIM


def setup_inputs(seed: int = 0) -> dict:
    key = jax.random.key(seed)
    ks = jax.random.split(key, 16)
    node_features = jax.random.normal(ks[0], (N, D), dtype=jnp.float32)
    edge_index = jax.random.randint(ks[1], (2, E), 0, N, dtype=jnp.int32)
    edge_attr = jax.random.normal(ks[2], (E, 4), dtype=jnp.float32)
    hidden_state = jax.random.normal(ks[3], (1, H), dtype=jnp.float32)
    s = 1.0 / np.sqrt(D)
    W_enc = jax.random.uniform(ks[4], (D, D), jnp.float32, -s, s)
    b_enc = jax.random.uniform(ks[5], (D,), jnp.float32, -s, s)
    W_gcn = jax.random.uniform(ks[6], (D, D), jnp.float32, -s, s)
    b_gcn = jax.random.uniform(ks[7], (D,), jnp.float32, -s, s)
    sh = 1.0 / np.sqrt(H)
    w_ih = jax.random.uniform(ks[8], (D, 3 * H), jnp.float32, -sh, sh)
    b_ih = jax.random.uniform(ks[9], (3 * H,), jnp.float32, -sh, sh)
    w_hh = jax.random.uniform(ks[10], (H, 3 * H), jnp.float32, -sh, sh)
    b_hh = jax.random.uniform(ks[11], (3 * H,), jnp.float32, -sh, sh)
    return {
        "node_features": node_features,
        "edge_index": edge_index,
        "edge_attr": edge_attr,
        "hidden_state": hidden_state,
        "W_enc": W_enc,
        "b_enc": b_enc,
        "W_gcn": W_gcn,
        "b_gcn": b_gcn,
        "w_ih": w_ih,
        "b_ih": b_ih,
        "w_hh": w_hh,
        "b_hh": b_hh,
    }


def reference(node_features, edge_index, edge_attr, hidden_state,
              W_enc, b_enc, W_gcn, b_gcn, w_ih, b_ih, w_hh, b_hh):
    # node encoder + relu
    encoded = jax.nn.relu(node_features @ W_enc + b_enc)
    # GCNConv (PyG semantics): lin -> add self loops -> sym norm -> aggregate -> bias
    h = encoded @ W_gcn
    loop = jnp.arange(N, dtype=edge_index.dtype)
    src = jnp.concatenate([edge_index[0], loop])
    dst = jnp.concatenate([edge_index[1], loop])
    ones = jnp.ones(src.shape[0], dtype=h.dtype)
    deg = jax.ops.segment_sum(ones, dst, num_segments=N)
    deg_inv_sqrt = jnp.where(deg > 0, deg ** -0.5, 0.0)
    norm = deg_inv_sqrt[src] * deg_inv_sqrt[dst]
    msg = h[src] * norm[:, None]
    agg = jax.ops.segment_sum(msg, dst, num_segments=N)
    gcn_out = jax.nn.relu(agg + b_gcn)
    agent = gcn_out[0:1, :]
    # GRUCell
    gi = agent @ w_ih + b_ih
    gh = hidden_state @ w_hh + b_hh
    i_r, i_z, i_n = jnp.split(gi, 3, axis=1)
    h_r, h_z, h_n = jnp.split(gh, 3, axis=1)
    r = jax.nn.sigmoid(i_r + h_r)
    z = jax.nn.sigmoid(i_z + h_z)
    n = jnp.tanh(i_n + r * h_n)
    new_hidden = (1.0 - z) * n + z * hidden_state
    return new_hidden

if __name__ == "__main__":
    import jax
    _d = setup_inputs()
    print(jax.jit(kernel)(*tuple(_d.values())))

</pallas_src>

<mosaic_0001>
#map = affine_map<(d0, d1) -> (0)>
#map1 = affine_map<(d0, d1) -> (0, 0)>
module attributes {stable_mosaic.version = 14 : i64} {
  func.func @k(%arg0: i32, %arg1: i32, %arg2: memref<640000xi32, #tpu.memory_space<hbm>>, %arg3: memref<10000xf32, #tpu.memory_space<hbm>>, %arg4: memref<2x10000xf32, #tpu.memory_space<hbm>>, %arg5: memref<2x10000xf32, #tpu.memory_space<hbm>>, %arg6: memref<10000xi32, #tpu.memory_space<vmem>>, %arg7: memref<10000xi32, #tpu.memory_space<vmem>>, %arg8: memref<10000xf32, #tpu.memory_space<vmem>>, %arg9: memref<10000xf32, #tpu.memory_space<vmem>>, %arg10: memref<10000xf32, #tpu.memory_space<vmem_shared>>, %arg11: memref<10000xf32, #tpu.memory_space<vmem_shared>>, %arg12: memref<!tpu.dma_semaphore, #tpu.memory_space<semaphore_mem>>, %arg13: memref<!tpu.dma_semaphore, #tpu.memory_space<semaphore_mem>>) attributes {dimension_semantics = [#tpu.dimension_semantics<core_parallel>, #tpu.dimension_semantics<subcore_parallel>], iteration_bounds = array<i64: 2, 16>, scalar_prefetch = 0 : i64, scratch_operands = 8 : i64, tpu.core_type = #tpu.core_type<sc_vector_subcore>, window_params = [{transform_indices = #map}, {transform_indices = #map}, {transform_indices = #map1}, {transform_indices = #map1}]} {
    %mul3A = arith.constant 16 : i32
    %mul3A_0 = arith.muli %arg0, %mul3A : i32
    %add3A = arith.addi %mul3A_0, %arg1 : i32
    %mul3A_1 = arith.constant 10000 : i32
    %mul3A_2 = arith.muli %add3A, %mul3A_1 : i32
    %dma_start3A = tpu.memref_slice %arg2[%mul3A_2] : memref<640000xi32, #tpu.memory_space<hbm>> -> memref<10000xi32, #tpu.memory_space<hbm>>
    %dma_start3A_3 = tpu.memref_slice %arg2[%mul3A_2] : memref<640000xi32, #tpu.memory_space<hbm>> -> memref<10000xi32, #tpu.memory_space<hbm>>
    tpu.enqueue_dma source(%dma_start3A_3 : memref<10000xi32, #tpu.memory_space<hbm>>) target(%arg6 : memref<10000xi32, #tpu.memory_space<vmem>>) target_semaphore(%arg12 : memref<!tpu.dma_semaphore, #tpu.memory_space<semaphore_mem>>)
    %mul3A_4 = arith.constant 10000 : i32
    %mul3A_5 = arith.muli %add3A, %mul3A_4 : i32
    %add3A_6 = arith.constant 320000 : i32
    %add3A_7 = arith.addi %add3A_6, %mul3A_5 : i32
    %dma_start3A_8 = tpu.memref_slice %arg2[%add3A_7] : memref<640000xi32, #tpu.memory_space<hbm>> -> memref<10000xi32, #tpu.memory_space<hbm>>
    %dma_start3A_9 = tpu.memref_slice %arg2[%add3A_7] : memref<640000xi32, #tpu.memory_space<hbm>> -> memref<10000xi32, #tpu.memory_space<hbm>>
    tpu.enqueue_dma source(%dma_start3A_9 : memref<10000xi32, #tpu.memory_space<hbm>>) target(%arg7 : memref<10000xi32, #tpu.memory_space<vmem>>) target_semaphore(%arg12 : memref<!tpu.dma_semaphore, #tpu.memory_space<semaphore_mem>>)
    %broadcast_in_dim3A = arith.constant 1.000000e+00 : f32
    %broadcast_in_dim3A_10 = vector.broadcast %broadcast_in_dim3A : f32 to vector<16xf32>
    %broadcast_in_dim3A_11 = arith.constant 0.000000e+00 : f32
    %broadcast_in_dim3A_12 = vector.broadcast %broadcast_in_dim3A_11 : f32 to vector<16xf32>
    %eq3A = arith.constant 0 : i32
    %eq3A_13 = arith.cmpi eq, %arg1, %eq3A : i32
    %convert_element_type3A = arith.extui %eq3A_13 : i1 to i32
    %cond3A = arith.constant 0 : i32
    %cond3A_14 = arith.cmpi ne, %convert_element_type3A, %cond3A : i32
    scf.if %cond3A_14 {
      "tpu.region"() ({
        %run_scoped3A = tpu.sem_alloc : memref<!tpu.dma_semaphore, #tpu.memory_space<semaphore_mem>>
        tpu.enqueue_dma source(%arg3 : memref<10000xf32, #tpu.memory_space<hbm>>) target(%arg10 : memref<10000xf32, #tpu.memory_space<vmem_shared>>) target_semaphore(%run_scoped3A : memref<!tpu.dma_semaphore, #tpu.memory_space<semaphore_mem>>)
        tpu.wait_dma2 semaphore(%run_scoped3A : memref<!tpu.dma_semaphore, #tpu.memory_space<semaphore_mem>>) src(%arg3 : memref<10000xf32, #tpu.memory_space<hbm>>) dst(%arg10 : memref<10000xf32, #tpu.memory_space<vmem_shared>>)
        tpu.yield
      }) : () -> ()
      "tpu.region"() ({
        %run_scoped3A = tpu.sem_alloc : memref<!tpu.dma_semaphore, #tpu.memory_space<semaphore_mem>>
        tpu.enqueue_dma source(%arg3 : memref<10000xf32, #tpu.memory_space<hbm>>) target(%arg11 : memref<10000xf32, #tpu.memory_space<vmem_shared>>) target_semaphore(%run_scoped3A : memref<!tpu.dma_semaphore, #tpu.memory_space<semaphore_mem>>)
        tpu.wait_dma2 semaphore(%run_scoped3A : memref<!tpu.dma_semaphore, #tpu.memory_space<semaphore_mem>>) src(%arg3 : memref<10000xf32, #tpu.memory_space<hbm>>) dst(%arg11 : memref<10000xf32, #tpu.memory_space<vmem_shared>>)
        tpu.yield
      }) : () -> ()
    } else {
    }
    %scan3A = arith.constant 0 : i32
    %scan3A_15 = arith.constant 0 : i32
    %scan3A_16 = arith.constant 625 : i32
    %scan3A_17 = arith.addi %scan3A_15, %scan3A_16 : i32
    %scan3A_18 = arith.constant 1 : i32
    scf.for %scan3A_39 = %scan3A_15 to %scan3A_17 step %scan3A_18  : i32 {
      %mul3A_40 = arith.constant 16 : i32
      %mul3A_41 = arith.muli %scan3A_39, %mul3A_40 : i32
      %swap3A = arith.index_cast %mul3A_41 : i32 to index
      %swap3A_42 = tpu.vector_load %arg9[%swap3A] {strides = array<i32>} : memref<10000xf32, #tpu.memory_space<vmem>>, vector<16xf32>,
      %swap3A_43 = vector.shape_cast %swap3A_42 : vector<16xf32> to vector<16xf32>
      %swap3A_44 = vector.shape_cast %broadcast_in_dim3A_10 : vector<16xf32> to vector<16xf32>
      tpu.vector_store %arg9[%swap3A], %swap3A_44 {strides = array<i32>} : memref<10000xf32, #tpu.memory_space<vmem>>, vector<16xf32>,
    }
    %scan3A_19 = arith.constant 625 : i32
    %dma_wait3A = tpu.memref_slice %arg2[%mul3A_2] : memref<640000xi32, #tpu.memory_space<hbm>> -> memref<10000xi32, #tpu.memory_space<hbm>>
    %dma_wait3A_20 = tpu.memref_slice %arg2[%mul3A_2] : memref<640000xi32, #tpu.memory_space<hbm>> -> memref<10000xi32, #tpu.memory_space<hbm>>
    tpu.wait_dma2 semaphore(%arg12 : memref<!tpu.dma_semaphore, #tpu.memory_space<semaphore_mem>>) src(%dma_wait3A_20 : memref<10000xi32, #tpu.memory_space<hbm>>) dst(%arg6 : memref<10000xi32, #tpu.memory_space<vmem>>)
    %dma_wait3A_21 = tpu.memref_slice %arg2[%add3A_7] : memref<640000xi32, #tpu.memory_space<hbm>> -> memref<10000xi32, #tpu.memory_space<hbm>>
    %dma_wait3A_22 = tpu.memref_slice %arg2[%add3A_7] : memref<640000xi32, #tpu.memory_space<hbm>> -> memref<10000xi32, #tpu.memory_space<hbm>>
    tpu.wait_dma2 semaphore(%arg12 : memref<!tpu.dma_semaphore, #tpu.memory_space<semaphore_mem>>) src(%dma_wait3A_22 : memref<10000xi32, #tpu.memory_space<hbm>>) dst(%arg7 : memref<10000xi32, #tpu.memory_space<vmem>>)
    %barrier3A = arith.constant 0 : index
    tpu.barrier barrier_id(%barrier3A)
    %dma_start3A_23 = arith.constant 0 : i32
    %dma_start3A_24 = tpu.memref_slice %arg10[%dma_start3A_23] : memref<10000xf32, #tpu.memory_space<vmem_shared>> -> memref<10000xf32, #tpu.memory_space<vmem_shared>>
    tpu.enqueue_indirect_dma source(%arg9 : memref<10000xf32, #tpu.memory_space<vmem>>) target(%dma_start3A_24 : memref<10000xf32, #tpu.memory_space<vmem_shared>>) offsets(%arg7 : memref<10000xi32, #tpu.memory_space<vmem>>) semaphore(%arg13 : memref<!tpu.dma_semaphore, #tpu.memory_space<semaphore_mem>>) {add = true}
    %scan3A_25 = arith.constant 0 : i32
    %scan3A_26 = arith.constant 0 : i32
    %scan3A_27 = arith.constant 625 : i32
    %scan3A_28 = arith.addi %scan3A_26, %scan3A_27 : i32
    %scan3A_29 = arith.constant 1 : i32
    scf.for %scan3A_39 = %scan3A_26 to %scan3A_28 step %scan3A_29  : i32 {
      %mul3A_40 = arith.constant 16 : i32
      %mul3A_41 = arith.muli %scan3A_39, %mul3A_40 : i32
      %get3A = arith.index_cast %mul3A_41 : i32 to index
      %get3A_42 = tpu.vector_load %arg7[%get3A] {strides = array<i32>} : memref<10000xi32, #tpu.memory_space<vmem>>, vector<16xi32>,
      %get3A_43 = vector.shape_cast %get3A_42 : vector<16xi32> to vector<16xi32>
      %eq3A_44 = arith.constant 0 : i32
      %eq3A_45 = vector.broadcast %eq3A_44 : i32 to vector<16xi32>
      %eq3A_46 = arith.cmpi eq, %get3A_43, %eq3A_45 : vector<16xi32>
      %select_n3A = arith.select %eq3A_46, %broadcast_in_dim3A_10, %broadcast_in_dim3A_12 : vector<16xi1>, vector<16xf32>
      %swap3A = arith.index_cast %mul3A_41 : i32 to index
      %swap3A_47 = tpu.vector_load %arg8[%swap3A] {strides = array<i32>} : memref<10000xf32, #tpu.memory_space<vmem>>, vector<16xf32>,
      %swap3A_48 = vector.shape_cast %swap3A_47 : vector<16xf32> to vector<16xf32>
      %swap3A_49 = vector.shape_cast %select_n3A : vector<16xf32> to vector<16xf32>
      tpu.vector_store %arg8[%swap3A], %swap3A_49 {strides = array<i32>} : memref<10000xf32, #tpu.memory_space<vmem>>, vector<16xf32>,
    }
    %scan3A_30 = arith.constant 625 : i32
    "tpu.region"() ({
      %run_scoped3A = tpu.sem_alloc : memref<!tpu.dma_semaphore, #tpu.memory_space<semaphore_mem>>
      %dma_start3A_39 = arith.constant 0 : i32
      %dma_start3A_40 = tpu.memref_slice %arg11[%dma_start3A_39] : memref<10000xf32, #tpu.memory_space<vmem_shared>> -> memref<10000xf32, #tpu.memory_space<vmem_shared>>
      tpu.enqueue_indirect_dma source(%arg8 : memref<10000xf32, #tpu.memory_space<vmem>>) target(%dma_start3A_40 : memref<10000xf32, #tpu.memory_space<vmem_shared>>) offsets(%arg6 : memref<10000xi32, #tpu.memory_space<vmem>>) semaphore(%run_scoped3A : memref<!tpu.dma_semaphore, #tpu.memory_space<semaphore_mem>>) {add = true}
      %dma_wait3A_41 = arith.constant 0 : i32
      %dma_wait3A_42 = tpu.memref_slice %arg11[%dma_wait3A_41] : memref<10000xf32, #tpu.memory_space<vmem_shared>> -> memref<10000xf32, #tpu.memory_space<vmem_shared>>
      tpu.wait_indirect_dma semaphore(%run_scoped3A : memref<!tpu.dma_semaphore, #tpu.memory_space<semaphore_mem>>) src(%arg8 : memref<10000xf32, #tpu.memory_space<vmem>>) dst(%dma_wait3A_42 : memref<10000xf32, #tpu.memory_space<vmem_shared>>)
      tpu.yield
    }) : () -> ()
    %dma_wait3A_31 = arith.constant 0 : i32
    %dma_wait3A_32 = tpu.memref_slice %arg10[%dma_wait3A_31] : memref<10000xf32, #tpu.memory_space<vmem_shared>> -> memref<10000xf32, #tpu.memory_space<vmem_shared>>
    tpu.wait_indirect_dma semaphore(%arg13 : memref<!tpu.dma_semaphore, #tpu.memory_space<semaphore_mem>>) src(%arg9 : memref<10000xf32, #tpu.memory_space<vmem>>) dst(%dma_wait3A_32 : memref<10000xf32, #tpu.memory_space<vmem_shared>>)
    %barrier3A_33 = arith.constant 0 : index
    tpu.barrier barrier_id(%barrier3A_33)
    %eq3A_34 = arith.constant 0 : i32
    %eq3A_35 = arith.cmpi eq, %arg1, %eq3A_34 : i32
    %convert_element_type3A_36 = arith.extui %eq3A_35 : i1 to i32
    %cond3A_37 = arith.constant 0 : i32
    %cond3A_38 = arith.cmpi ne, %convert_element_type3A_36, %cond3A_37 : i32
    scf.if %cond3A_38 {
      "tpu.region"() ({
        %run_scoped3A = tpu.sem_alloc : memref<!tpu.dma_semaphore, #tpu.memory_space<semaphore_mem>>
        %dma_start3A_39 = arith.constant 0 : i32
        %dma_start3A_40 = tpu.memref_slice %arg4[%arg0, %dma_start3A_39] : memref<2x10000xf32, #tpu.memory_space<hbm>> -> memref<1x10000xf32, #tpu.memory_space<hbm>>
        %dma_start3A_41 = tpu.memref_squeeze %dma_start3A_40 : memref<1x10000xf32, #tpu.memory_space<hbm>> -> memref<10000xf32, #tpu.memory_space<hbm>>
        tpu.enqueue_dma source(%arg10 : memref<10000xf32, #tpu.memory_space<vmem_shared>>) target(%dma_start3A_41 : memref<10000xf32, #tpu.memory_space<hbm>>) target_semaphore(%run_scoped3A : memref<!tpu.dma_semaphore, #tpu.memory_space<semaphore_mem>>)
        %dma_wait3A_42 = arith.constant 0 : i32
        %dma_wait3A_43 = tpu.memref_slice %arg4[%arg0, %dma_wait3A_42] : memref<2x10000xf32, #tpu.memory_space<hbm>> -> memref<1x10000xf32, #tpu.memory_space<hbm>>
        %dma_wait3A_44 = tpu.memref_squeeze %dma_wait3A_43 : memref<1x10000xf32, #tpu.memory_space<hbm>> -> memref<10000xf32, #tpu.memory_space<hbm>>
        tpu.wait_dma2 semaphore(%run_scoped3A : memref<!tpu.dma_semaphore, #tpu.memory_space<semaphore_mem>>) src(%arg10 : memref<10000xf32, #tpu.memory_space<vmem_shared>>) dst(%dma_wait3A_44 : memref<10000xf32, #tpu.memory_space<hbm>>)
        tpu.yield
      }) : () -> ()
      "tpu.region"() ({
        %run_scoped3A = tpu.sem_alloc : memref<!tpu.dma_semaphore, #tpu.memory_space<semaphore_mem>>
        %dma_start3A_39 = arith.constant 0 : i32
        %dma_start3A_40 = tpu.memref_slice %arg5[%arg0, %dma_start3A_39] : memref<2x10000xf32, #tpu.memory_space<hbm>> -> memref<1x10000xf32, #tpu.memory_space<hbm>>
        %dma_start3A_41 = tpu.memref_squeeze %dma_start3A_40 : memref<1x10000xf32, #tpu.memory_space<hbm>> -> memref<10000xf32, #tpu.memory_space<hbm>>
        tpu.enqueue_dma source(%arg11 : memref<10000xf32, #tpu.memory_space<vmem_shared>>) target(%dma_start3A_41 : memref<10000xf32, #tpu.memory_space<hbm>>) target_semaphore(%run_scoped3A : memref<!tpu.dma_semaphore, #tpu.memory_space<semaphore_mem>>)
        %dma_wait3A_42 = arith.constant 0 : i32
        %dma_wait3A_43 = tpu.memref_slice %arg5[%arg0, %dma_wait3A_42] : memref<2x10000xf32, #tpu.memory_space<hbm>> -> memref<1x10000xf32, #tpu.memory_space<hbm>>
        %dma_wait3A_44 = tpu.memref_squeeze %dma_wait3A_43 : memref<1x10000xf32, #tpu.memory_space<hbm>> -> memref<10000xf32, #tpu.memory_space<hbm>>
        tpu.wait_dma2 semaphore(%run_scoped3A : memref<!tpu.dma_semaphore, #tpu.memory_space<semaphore_mem>>) src(%arg11 : memref<10000xf32, #tpu.memory_space<vmem_shared>>) dst(%dma_wait3A_44 : memref<10000xf32, #tpu.memory_space<hbm>>)
        tpu.yield
      }) : () -> ()
    } else {
    }
    return
  }
}

module attributes {stable_mosaic.version = 14 : i64} {
  func.func @_tc_body(%arg0: memref<10000x128xbf16, #tpu.memory_space<vmem>>, %arg1: memref<2x10000xf32, #tpu.memory_space<vmem>>, %arg2: memref<2x10000xf32, #tpu.memory_space<vmem>>, %arg3: memref<1x128xf32, #tpu.memory_space<vmem>>, %arg4: memref<128x128xf32, #tpu.memory_space<vmem>>, %arg5: memref<1x128xf32, #tpu.memory_space<vmem>>, %arg6: memref<128x384xf32, #tpu.memory_space<vmem>>, %arg7: memref<1x384xf32, #tpu.memory_space<vmem>>, %arg8: memref<128x384xf32, #tpu.memory_space<vmem>>, %arg9: memref<1x384xf32, #tpu.memory_space<vmem>>, %arg10: memref<1x128xf32, #tpu.memory_space<vmem>>) attributes {dimension_semantics = [], scalar_prefetch = 0 : i64, scratch_operands = 0 : i64, tpu.core_type = #tpu.core_type<tc>} {
    %get3A = arith.constant 0 : index
    %get3A_0 = arith.constant 0 : index
    %get3A_1 = vector.load %arg0[%get3A, %get3A_0] : memref<10000x128xbf16, #tpu.memory_space<vmem>>, vector<10000x128xbf16>
    %convert_element_type3A = arith.extf %get3A_1 : vector<10000x128xbf16> to vector<10000x128xf32>
    %get3A_2 = arith.constant 0 : index
    %get3A_3 = arith.constant 0 : index
    %get3A_4 = vector.load %arg1[%get3A_2, %get3A_3] : memref<2x10000xf32, #tpu.memory_space<vmem>>, vector<1x10000xf32>
    %get3A_5 = arith.constant 1 : index
    %get3A_6 = arith.constant 0 : index
    %get3A_7 = vector.load %arg1[%get3A_5, %get3A_6] : memref<2x10000xf32, #tpu.memory_space<vmem>>, vector<1x10000xf32>
    %add3A = arith.addf %get3A_4, %get3A_7 : vector<1x10000xf32>
    %add3A_8 = arith.constant 1.000000e+00 : f32
    %add3A_9 = vector.broadcast %add3A_8 : f32 to vector<1x10000xf32>
    %add3A_10 = arith.addf %add3A, %add3A_9 : vector<1x10000xf32>
    %rsqrt3A = math.rsqrt %add3A_10 : vector<1x10000xf32>
    %get3A_11 = arith.constant 0 : index
    %get3A_12 = arith.constant 0 : index
    %get3A_13 = vector.load %arg2[%get3A_11, %get3A_12] : memref<2x10000xf32, #tpu.memory_space<vmem>>, vector<1x10000xf32>
    %get3A_14 = arith.constant 1 : index
    %get3A_15 = arith.constant 0 : index
    %get3A_16 = vector.load %arg2[%get3A_14, %get3A_15] : memref<2x10000xf32, #tpu.memory_space<vmem>>, vector<1x10000xf32>
    %add3A_17 = arith.addf %get3A_13, %get3A_16 : vector<1x10000xf32>
    %mul3A = arith.mulf %add3A_17, %rsqrt3A : vector<1x10000xf32>
    %dot_general3A = arith.constant dense<0.000000e+00> : vector<1x128xf32>
    %dot_general3A_18 = tpu.matmul %mul3A, %convert_element_type3A, %dot_general3A {dimension_numbers = #tpu.dot_dimension_numbers<[1], [0], [0], [1], [0, 0, 1, 1], [], []>, transpose_lhs_hint = false} : vector<1x10000xf32>, vector<10000x128xf32>, vector<1x128xf32> -> vector<1x128xf32>
    %slice3A = vector.extract_strided_slice %rsqrt3A {offsets = [0, 0], sizes = [1, 1], strides = [1, 1]} : vector<1x10000xf32> to vector<1x1xf32>
    %mul3A_19 = vector.broadcast %slice3A : vector<1x1xf32> to vector<1x128xf32>
    %mul3A_20 = arith.mulf %mul3A_19, %dot_general3A_18 : vector<1x128xf32>
    %mul3A_21 = arith.mulf %slice3A, %slice3A : vector<1x1xf32>
    %slice3A_22 = vector.extract_strided_slice %convert_element_type3A {offsets = [0, 0], sizes = [1, 128], strides = [1, 1]} : vector<10000x128xf32> to vector<1x128xf32>
    %mul3A_23 = vector.broadcast %mul3A_21 : vector<1x1xf32> to vector<1x128xf32>
    %mul3A_24 = arith.mulf %mul3A_23, %slice3A_22 : vector<1x128xf32>
    %add3A_25 = arith.addf %mul3A_20, %mul3A_24 : vector<1x128xf32>
    %get3A_26 = arith.constant 0 : index
    %get3A_27 = arith.constant 0 : index
    %get3A_28 = vector.load %arg4[%get3A_26, %get3A_27] : memref<128x128xf32, #tpu.memory_space<vmem>>, vector<128x128xf32>
    %dot_general3A_29 = arith.constant dense<0.000000e+00> : vector<1x128xf32>
    %dot_general3A_30 = tpu.matmul %add3A_25, %get3A_28, %dot_general3A_29 {dimension_numbers = #tpu.dot_dimension_numbers<[1], [0], [0], [1], [0, 0, 1, 1], [], []>, transpose_lhs_hint = false} : vector<1x128xf32>, vector<128x128xf32>, vector<1x128xf32> -> vector<1x128xf32>
    %get3A_31 = arith.constant 0 : index
    %get3A_32 = arith.constant 0 : index
    %get3A_33 = vector.load %arg5[%get3A_31, %get3A_32] : memref<1x128xf32, #tpu.memory_space<vmem>>, vector<1x128xf32>
    %add3A_34 = arith.addf %dot_general3A_30, %get3A_33 : vector<1x128xf32>
    %max3A = arith.constant 0.000000e+00 : f32
    %max3A_35 = vector.broadcast %max3A : f32 to vector<1x128xf32>
    %max3A_36 = arith.maximumf %add3A_34, %max3A_35 : vector<1x128xf32>
    %get3A_37 = arith.constant 0 : index
    %get3A_38 = arith.constant 0 : index
    %get3A_39 = vector.load %arg6[%get3A_37, %get3A_38] : memref<128x384xf32, #tpu.memory_space<vmem>>, vector<128x384xf32>
    %dot_general3A_40 = arith.constant dense<0.000000e+00> : vector<1x384xf32>
    %dot_general3A_41 = tpu.matmul %max3A_36, %get3A_39, %dot_general3A_40 {dimension_numbers = #tpu.dot_dimension_numbers<[1], [0], [0], [1], [0, 0, 1, 1], [], []>, transpose_lhs_hint = false} : vector<1x128xf32>, vector<128x384xf32>, vector<1x384xf32> -> vector<1x384xf32>
    %get3A_42 = arith.constant 0 : index
    %get3A_43 = arith.constant 0 : index
    %get3A_44 = vector.load %arg7[%get3A_42, %get3A_43] : memref<1x384xf32, #tpu.memory_space<vmem>>, vector<1x384xf32>
    %add3A_45 = arith.addf %dot_general3A_41, %get3A_44 : vector<1x384xf32>
    %get3A_46 = arith.constant 0 : index
    %get3A_47 = arith.constant 0 : index
    %get3A_48 = vector.load %arg3[%get3A_46, %get3A_47] : memref<1x128xf32, #tpu.memory_space<vmem>>, vector<1x128xf32>
    %get3A_49 = arith.constant 0 : index
    %get3A_50 = arith.constant 0 : index
    %get3A_51 = vector.load %arg8[%get3A_49, %get3A_50] : memref<128x384xf32, #tpu.memory_space<vmem>>, vector<128x384xf32>
    %dot_general3A_52 = arith.constant dense<0.000000e+00> : vector<1x384xf32>
    %dot_general3A_53 = tpu.matmul %get3A_48, %get3A_51, %dot_general3A_52 {dimension_numbers = #tpu.dot_dimension_numbers<[1], [0], [0], [1], [0, 0, 1, 1], [], []>, transpose_lhs_hint = false} : vector<1x128xf32>, vector<128x384xf32>, vector<1x384xf32> -> vector<1x384xf32>
    %get3A_54 = arith.constant 0 : index
    %get3A_55 = arith.constant 0 : index
    %get3A_56 = vector.load %arg9[%get3A_54, %get3A_55] : memref<1x384xf32, #tpu.memory_space<vmem>>, vector<1x384xf32>
    %add3A_57 = arith.addf %dot_general3A_53, %get3A_56 : vector<1x384xf32>
    %slice3A_58 = vector.extract_strided_slice %add3A_45 {offsets = [0, 0], sizes = [1, 128], strides = [1, 1]} : vector<1x384xf32> to vector<1x128xf32>
    %slice3A_59 = vector.extract_strided_slice %add3A_45 {offsets = [0, 128], sizes = [1, 128], strides = [1, 1]} : vector<1x384xf32> to vector<1x128xf32>
    %slice3A_60 = vector.extract_strided_slice %add3A_45 {offsets = [0, 256], sizes = [1, 128], strides = [1, 1]} : vector<1x384xf32> to vector<1x128xf32>
    %slice3A_61 = vector.extract_strided_slice %add3A_57 {offsets = [0, 0], sizes = [1, 128], strides = [1, 1]} : vector<1x384xf32> to vector<1x128xf32>
    %slice3A_62 = vector.extract_strided_slice %add3A_57 {offsets = [0, 128], sizes = [1, 128], strides = [1, 1]} : vector<1x384xf32> to vector<1x128xf32>
    %slice3A_63 = vector.extract_strided_slice %add3A_57 {offsets = [0, 256], sizes = [1, 128], strides = [1, 1]} : vector<1x384xf32> to vector<1x128xf32>
    %add3A_64 = arith.addf %slice3A_58, %slice3A_61 : vector<1x128xf32>
    %logistic3A = arith.negf %add3A_64 : vector<1x128xf32>
    %logistic3A_65 = math.exp %logistic3A : vector<1x128xf32>
    %logistic3A_66 = arith.constant 1.000000e+00 : f32
    %logistic3A_67 = vector.broadcast %logistic3A_66 : f32 to vector<1x128xf32>
    %logistic3A_68 = arith.addf %logistic3A_67, %logistic3A_65 : vector<1x128xf32>
    %logistic3A_69 = arith.divf %logistic3A_67, %logistic3A_68 : vector<1x128xf32>
    %add3A_70 = arith.addf %slice3A_59, %slice3A_62 : vector<1x128xf32>
    %logistic3A_71 = arith.negf %add3A_70 : vector<1x128xf32>
    %logistic3A_72 = math.exp %logistic3A_71 : vector<1x128xf32>
    %logistic3A_73 = arith.constant 1.000000e+00 : f32
    %logistic3A_74 = vector.broadcast %logistic3A_73 : f32 to vector<1x128xf32>
    %logistic3A_75 = arith.addf %logistic3A_74, %logistic3A_72 : vector<1x128xf32>
    %logistic3A_76 = arith.divf %logistic3A_74, %logistic3A_75 : vector<1x128xf32>
    %mul3A_77 = arith.mulf %logistic3A_69, %slice3A_63 : vector<1x128xf32>
    %add3A_78 = arith.addf %slice3A_60, %mul3A_77 : vector<1x128xf32>
    %tanh3A = math.tanh %add3A_78 : vector<1x128xf32>
    %sub3A = arith.constant 1.000000e+00 : f32
    %sub3A_79 = vector.broadcast %sub3A : f32 to vector<1x128xf32>
    %sub3A_80 = arith.subf %sub3A_79, %logistic3A_76 : vector<1x128xf32>
    %mul3A_81 = arith.mulf %sub3A_80, %tanh3A : vector<1x128xf32>
    %mul3A_82 = arith.mulf %logistic3A_76, %get3A_48 : vector<1x128xf32>
    %add3A_83 = arith.addf %mul3A_81, %mul3A_82 : vector<1x128xf32>
    %swap3A = arith.constant 0 : index
    %swap3A_84 = arith.constant 0 : index
    %swap3A_85 = vector.load %arg10[%swap3A, %swap3A_84] : memref<1x128xf32, #tpu.memory_space<vmem>>, vector<1x128xf32>
    tpu.vector_store %arg10[%swap3A, %swap3A_84], %add3A_83 {strides = array<i32>} : memref<1x128xf32, #tpu.memory_space<vmem>>, vector<1x128xf32>,
    return
  }
}

module attributes {stable_mosaic.version = 14 : i64} {
  func.func @_enc_body(%arg0: memref<10000x128xf32, #tpu.memory_space<vmem>>, %arg1: memref<128x128xf32, #tpu.memory_space<vmem>>, %arg2: memref<1x128xf32, #tpu.memory_space<vmem>>, %arg3: memref<10000x128xbf16, #tpu.memory_space<vmem>>) attributes {dimension_semantics = [], scalar_prefetch = 0 : i64, scratch_operands = 0 : i64, tpu.core_type = #tpu.core_type<tc>} {
    %get3A = arith.constant 0 : index
    %get3A_0 = arith.constant 0 : index
    %get3A_1 = vector.load %arg0[%get3A, %get3A_0] : memref<10000x128xf32, #tpu.memory_space<vmem>>, vector<10000x128xf32>
    %get3A_2 = arith.constant 0 : index
    %get3A_3 = arith.constant 0 : index
    %get3A_4 = vector.load %arg1[%get3A_2, %get3A_3] : memref<128x128xf32, #tpu.memory_space<vmem>>, vector<128x128xf32>
    %dot_general3A = arith.constant dense<0.000000e+00> : vector<10000x128xf32>
    %dot_general3A_5 = tpu.matmul %get3A_1, %get3A_4, %dot_general3A {dimension_numbers = #tpu.dot_dimension_numbers<[1], [0], [0], [1], [0, 0, 1, 1], [], []>, transpose_lhs_hint = false} : vector<10000x128xf32>, vector<128x128xf32>, vector<10000x128xf32> -> vector<10000x128xf32>
    %get3A_6 = arith.constant 0 : index
    %get3A_7 = arith.constant 0 : index
    %get3A_8 = vector.load %arg2[%get3A_6, %get3A_7] : memref<1x128xf32, #tpu.memory_space<vmem>>, vector<1x128xf32>
    %add3A = vector.broadcast %get3A_8 : vector<1x128xf32> to vector<10000x128xf32>
    %add3A_9 = arith.addf %dot_general3A_5, %add3A : vector<10000x128xf32>
    %max3A = arith.constant 0.000000e+00 : f32
    %max3A_10 = vector.broadcast %max3A : f32 to vector<10000x128xf32>
    %max3A_11 = arith.maximumf %add3A_9, %max3A_10 : vector<10000x128xf32>
    %convert_element_type3A = arith.truncf %max3A_11 : vector<10000x128xf32> to vector<10000x128xbf16>
    %swap3A = arith.constant 0 : index
    %swap3A_12 = arith.constant 0 : index
    %swap3A_13 = vector.load %arg3[%swap3A, %swap3A_12] : memref<10000x128xbf16, #tpu.memory_space<vmem>>, vector<10000x128xbf16>
    tpu.vector_store %arg3[%swap3A, %swap3A_12], %convert_element_type3A {strides = array<i32>} : memref<10000x128xbf16, #tpu.memory_space<vmem>>, vector<10000x128xbf16>,
    return
  }
}

</mosaic_0001>

<sc_bundles>
// kernel: kernel.5.cloned.1.call-start
scs
__scs_entry_jumppad:
0x0: {  	(pc) =	sbr.rel $0x88, $3  }
0x1: {  	(tag) =	ssettag $0x0;
	lr =	simm.s32 $0x1  }
0x2: {  	[smem:$0x3F96] =	sst lr;
	_ =	strace $0xD0000000  }
0x3: {  	_ = 	snop  }
0x4: {  	_ = 	snop  }
0x5: {  	_ = 	snop  }
0x6: {  	_ = 	snop  }
0x7: {  	_ = 	snop  }
__scs_overlays_trampoline_lowered:
0x8: {  	[smem:$0x3FA5] =	sst s0  }
0x9: {  	[smem:$0x3FA6] =	sst s1  }
0xa: {  	[smem:$0x3FA7] =	sst s2  }
0xb: {  	[smem:$0x3FA8] =	sst s3  }
0xc: {  	[smem:$0x3FA9] =	sst s4  }
0xd: {  	[smem:$0x3FAA] =	sst s5  }
0xe: {  	[smem:$0x3FAB] =	sst s6  }
0xf: {  	[smem:$0x3FAC] =	sst s7  }
0x10: {  	[smem:$0x3FAD] =	sst s8  }
0x11: {  	[smem:$0x3FAE] =	sst s9;
	s0 =	simm.s32 @!p0 $0x0  }
0x12: {  	s1 =	sld [smem:$0x3F94];
	s0 =	simm.s32 @p0 $0x1  }
0x13: {  	[smem:$0x3FAF] =	sst s0;
	s0 =	simm.s32 @!p1 $0x0  }
0x14: {  	s2 =	sld [smem:$0x3F93];
	s0 =	simm.s32 @p1 $0x1  }
0x15: {  	[smem:$0x3FB0] =	sst s0;
	s0 =	simm.s32 @!p2 $0x0  }
0x16: {  	s3 =	sld [smem:$0x3FDB];
	s0 =	simm.s32 @p2 $0x1  }
0x17: {  	s4 =	simm.s32 $0x1BF5;
	[smem:$0x3FB2] =	sst s0  }
0x18: {  	s0 =	sld [smem:$0x3F95];
	_ =	swait.ge [sflag:s4], $0x0  }
0x19: {  	s7 =	sld [smem:$0x3F96]  }
0x1a: {  	s8 =	sadd.s32 $0xFFFFE003, lr  }
0x1b: {  	s9 =	sadd.s32 $0xFFFFFEF7, lr;
	s5 =	simm.s32 $0xFFFFFFFF;
	p2 =	slt.u32 s8, $0xFFFFF086  }
0x1c: {  	p1 =	slt.u32 s9, $0xF7A;
	s5 =	simm.s32 @!p2 $0x0  }
0x1d: {  	s5 =	simm.s32 @p1 $0x1;
	p0 =	seq.s32 s7, s2  }
0x1e: {  	s7 =	smul.u32 @!p0 $0xF7A, s2;
	p2 =	seq.s32 @!p0 s5, $0x0  }
0x1f: {  	s9 =	smul.u32 $0xF7A, s1;
	s8 =	simm.s32 @!p0 $0x1BF5;
	p2 =	por !p2, p0  }
0x20: {  	[sflag:s8] =	ssyncset.s32 @!p0 $0xFFFFF086;
	s6 =	sadd.s32 @!p0 s3, s7;
	s7 =	simm.s32 @!p0 $0x108  }
0x21: {  	s3 =	sadd.s32 s3, s9;
	s6 =	sadd.s32 @!p0 $0x88, s6;
	s7 =	simm.s32 @p2 $0x1082  }
0x22: {  	[simem:s7], [sflag:s8] =	dma.local @!p0 [hbm:s6], $0xF7A  }
0x23: {  	s9 =	sor.u32 $0xD0000000, s2;
	s6 =	simm.s32 $0x108;
	_ =	swait.ge @!p0 [sflag:s8], $0x0  }
0x24: {  	s3 =	sadd.s32 $0x88, s3;
	s6 =	simm.s32 @!p1 $0x1082;
	[sflag:s4] =	ssyncset.s32 $0xFFFFF086  }
0x25: {  	[simem:s6], [sflag:s4] =	dma.local [hbm:s3], $0xF7A  }
0x26: {  	[smem:$0x3F96] =	sst s1;
	(tag) =	ssettag s2;
	_ =	strace s9  }
0x27: {  	s1 =	sld [smem:$0x3FA6]  }
0x28: {  	s2 =	sld [smem:$0x3FA7]  }
0x29: {  	s4 =	sld [smem:$0x3FA9]  }
0x2a: {  	p0 =	seq.s32 s5, $0x0;
	s5 =	sld [smem:$0x3FAA]  }
0x2b: {  	s6 =	sld [smem:$0x3FAB]  }
0x2c: {  	s7 =	sld [smem:$0x3FAC]  }
0x2d: {  	s3 =	simm.s32 $0x108;
	s8 =	sld [smem:$0x3FAD]  }
0x2e: {  	s3 =	simm.s32 @!p0 $0x1082;
	s9 =	sld [smem:$0x3FAE]  }
0x2f: {  	lr =	sadd.s32 s0, s3;
	s0 =	sld [smem:$0x3FA5]  }
0x30: {  	s3 =	sld [smem:$0x3FA8]  }
0x31: {  	[smem:$0x3FB1] =	sst s10  }
0x32: {  	s10 =	sld [smem:$0x3FAF];
	_ =	sdelay $0x3  }
0x33: {  	p0 =	seq.s32 s10, $0x1;
	s10 =	sld [smem:$0x3FB1];
	_ =	sdelay $0x3  }
0x34: {  	[smem:$0x3FB1] =	sst s10  }
0x35: {  	s10 =	sld [smem:$0x3FB0];
	_ =	sdelay $0x3  }
0x36: {  	p1 =	seq.s32 s10, $0x1;
	s10 =	sld [smem:$0x3FB1];
	_ =	sdelay $0x3  }
0x37: {  	[smem:$0x3FB1] =	sst s10  }
0x38: {  	s10 =	sld [smem:$0x3FB2]  }
0x39: {  	_ = 	snop;
	(pc) =	sbr.ind lr, $3  }
0x3a: {  	_ = 	snop  }
0x3b: {  	_ = 	snop  }
0x3c: {  	p2 =	seq.s32 s10, $0x1;
	s10 =	sld [smem:$0x3FB1]  }
0x3d: {  	_ =	shalt  }
0x3e: {  	_ =	shalt  }
0x3f: {  	_ =	shalt  }
0x40: {  	_ =	shalt  }
0x41: {  	_ =	shalt  }
0x42: {  	_ =	shalt  }
0x43: {  	_ =	shalt  }
0x44: {  	_ =	shalt  }
0x45: {  	_ =	shalt  }
0x46: {  	_ =	shalt  }
0x47: {  	_ =	shalt  }
0x48: {  	_ =	shalt  }
0x49: {  	_ =	shalt  }
0x4a: {  	_ =	shalt  }
0x4b: {  	_ =	shalt  }
0x4c: {  	_ =	shalt  }
0x4d: {  	_ =	shalt  }
0x4e: {  	_ =	shalt  }
0x4f: {  	_ =	shalt  }
0x50: {  	_ =	shalt  }
0x51: {  	_ =	shalt  }
0x52: {  	_ =	shalt  }
0x53: {  	_ =	shalt  }
0x54: {  	_ =	shalt  }
0x55: {  	_ =	shalt  }
0x56: {  	_ =	shalt  }
0x57: {  	_ =	shalt  }
0x58: {  	_ =	shalt  }
0x59: {  	_ =	shalt  }
0x5a: {  	_ =	shalt  }
0x5b: {  	_ =	shalt  }
0x5c: {  	_ =	shalt  }
0x5d: {  	_ =	shalt  }
0x5e: {  	_ =	shalt  }
0x5f: {  	_ =	shalt  }
0x60: {  	_ =	shalt  }
0x61: {  	_ =	shalt  }
0x62: {  	_ =	shalt  }
0x63: {  	_ =	shalt  }
0x64: {  	_ =	shalt  }
0x65: {  	_ =	shalt  }
0x66: {  	_ =	shalt  }
0x67: {  	_ =	shalt  }
0x68: {  	_ =	shalt  }
0x69: {  	_ =	shalt  }
0x6a: {  	_ =	shalt  }
0x6b: {  	_ =	shalt  }
0x6c: {  	_ =	shalt  }
0x6d: {  	_ =	shalt  }
0x6e: {  	_ =	shalt  }
0x6f: {  	_ =	shalt  }
0x70: {  	_ =	shalt  }
0x71: {  	_ =	shalt  }
0x72: {  	_ =	shalt  }
0x73: {  	_ =	shalt  }
0x74: {  	_ =	shalt  }
0x75: {  	_ =	shalt  }
0x76: {  	_ =	shalt  }
0x77: {  	_ =	shalt  }
0x78: {  	_ =	shalt  }
0x79: {  	_ =	shalt  }
0x7a: {  	_ =	shalt  }
0x7b: {  	_ =	shalt  }
0x7c: {  	_ =	shalt  }
0x7d: {  	_ =	shalt  }
0x7e: {  	_ =	shalt  }
0x7f: {  	_ =	shalt  }
0x80: {  	_ =	shalt  }
0x81: {  	_ =	shalt  }
0x82: {  	_ =	shalt  }
0x83: {  	_ =	shalt  }
0x84: {  	_ =	shalt  }
0x85: {  	_ =	shalt  }
0x86: {  	_ =	shalt  }
0x87: {  	_ =	shalt  }
.Lfunc_end0:
.L_simem_size_0:
called_computation_lowered:
.L_overlay_start_0:
0x88: {  	s2 =	sld [smem:$0x3FD9]  }
0x89: {  	s3 =	sld [smem:$0x3FFE];
	_ =	sdelay $0x1  }
0x8a: {  	s1 =	srdreg.scid  }
0x8b: {  	s0 =	sand.u32 $0x1, s1  }
0x8c: {  	s16 =	sshll.u32 s0, $0xA;
	s2 =	sadd.s32 s3, s2  }
0x8d: {  	s2 =	sadd.s32 s2, s16  }
0x8e: {  	[smem:$0x3FBD] =	sst s2  }
0x8f: {  	_ = 	snop  }
0x90: {  	(tm) =	ssettm $0x1  }
0x91: {  	s17 =	sld [smem:$0x3FFB];
	_ =	sdelay $0x3  }
0x92: {  	_ =	strace s17  }
0x93: {  	s2 =	sld [smem:$0x3FFC];
	_ =	sdelay $0x3  }
0x94: {  	_ =	strace s2  }
0x95: {  	s2 =	sld [smem:$0x3FFD];
	_ =	sdelay $0x3  }
0x96: {  	_ =	strace s2  }
0x97: {  	_ =	strace $0x8FFFFFFF  }
0x98: {  	s18 =	sld [smem:$0x3FDB];
	_ =	sdelay $0x1  }
0x99: {  	s19 =	simm.s32 $_scs_section_size  }
0x9a: {  	s4 =	simm.s32 $_size__tile_overlayer_lowered;
	s5 =	simm.s32 $_tile_overlayer_lowered  }
0x9b: {  	s22 =	simm.s32 $0x1BFF;
	s21 =	sshll.u32 s5, $0x1;
	s2 =	sadd.s32 s19, s18  }
0x9c: {  	s6 =	simm.s32 $0x0;
	s20 =	sshll.u32 s4, $0x1;
	s4 =	sadd.s32 s21, s2  }
0x9d: {  	[timem:s6], [sflag:s22] =	dma.local [hbm:s4], s20  }
0x9e: {  	_ =	swait.ge [sflag:s22], s20  }
0x9f: {  	s3 =	ssub.s32 $0x0, s20;
	[sflag:s22] =	ssyncset.done $0x0  }
0xa0: {  	[sflag:s22] =	ssyncadd.s32 s3;
	_ =	sdelay $0x1  }
0xa1: {  	s23 =	simm.s32 $0x1B8B  }
0xa2: {  	_ =	swait.ge [sflag:s23], $0x1  }
0xa3: {  	[sflag:s23] =	ssyncset.done $0x0  }
0xa4: {  	s25 =	simm.s32 $0x1B8E;
	s24 =	sld [smem:$0x3FFE];
	[sflag:s23] =	ssyncadd.s32 $0xFFFFFFFF  }
0xa5: {  	s26 =	simm.s32 $execute0_lowered;
	[smem:$0x3FD2] =	sst s25  }
0xa6: {  	s4 =	sshll.u32 s26, $0x1;
	_ =	strace $0x80000046;
	[dreg:$0x1] =	wrdreg $0xFFFFFFFF  }
0xa7: {  	s28 =	simm.s32 $_size_execute0_lowered;
	s2 =	sadd.s32 s2, s4;
	[dreg:$0x0] =	wrdreg $0x0  }
0xa8: {  	s4 =	sshll.u32 s28, $0x1;
	[dreg:$0x2] =	wrdreg s2  }
0xa9: {  	[dreg:$0x3] =	wrdreg s4  }
0xaa: {  	[dreg:$0x4] =	wrdreg $0xC0  }
0xab: {  	_ =	task [dreg:s6], $0x5FFFF  }
0xac: {  	[dreg:$0x1] =	wrdreg $0xFFFFFFFF  }
0xad: {  	[dreg:$0x0] =	wrdreg $0x60  }
0xae: {  	[dreg:$0x2] =	wrdreg s24  }
0xaf: {  	[dreg:$0x3] =	wrdreg $0x9E000  }
0xb0: {  	[dreg:$0x4] =	wrdreg $0xA0780  }
0xb1: {  	[dreg:$0x5] =	wrdreg $0x9  }
0xb2: {  	_ =	task.clear_ibuf [dreg:s6], $0x6FFFF;
	_ =	strace $0x90000046  }
0xb3: {  	s29 =	simm.s32 $0x9;
	_ =	strace $0x80000048  }
0xb4: {  	_ =	swait.ge [sflag:s29], $0x1  }
0xb5: {  	[sflag:s29] =	ssyncadd.s32 $0xFFFFFFFF  }
0xb6: {  	_ =	strace $0x90000048  }
0xb7: {  	_ =	sfence  }
0xb8: {  	s30 =	sld [smem:$0x0];
	_ =	sdelay $0x2  }
0xb9: {  	s31 =	sshll.u32 s1, $0xD;
	s1 =	sshrl.u32 s1, $0x2  }
0xba: {  	s3 =	sand.u32 $0x4000, s31;
	s1 =	sadd.s32 s1, s30  }
0xbb: {  	s0 =	sor.u32 s3, s0;
	s1 =	sshll.u32 s1, $0x11  }
0xbc: {  	s0 =	sor.u32 s1, s0  }
0xbd: {  	s0 =	sadd.s32 $0x8F2B, s0  }
0xbe: {  	[sflag:s0] =	ssyncadd.remote.s32 $0x1  }
0xbf: {  	_ =	sfence.sel $0xFFFF  }
0xc0: {  	[dreg:$0x0] =	wrdreg $0xFFFFFFFF;
	(pc) =	sbr.abs _section_cstart, $3  }
0xc1: {  	[dreg:$0x1] =	wrdreg $0xFFFFFFFF  }
0xc2: {  	_ =	task.clear_ibuf [dreg:s6], $0x2FFFF;
	_ =	strace $0x9FFFFFFF  }
0xc3: {  	(tm) =	ssettm $0x7FFFFFFF  }
tec
execute0_lowered:
.L_overlay_start_1:
0x0: {  	(tag) =	ssettag $0x1  }
0x1: {  	s5 =	rddreg [dreg:$0x0]  }
0x2: {  	s0 =	srdreg.scid;
	s1 =	rddreg [dreg:$0x1]  }
0x3: {  	s10 =	stileid.u32;
	s2 =	rddreg [dreg:$0x2];
	s3 =	simm.s32 $0x0  }
0x4: {  	s13 =	simm.s32 $0x1;
	s14 =	simm.s32 $0x2710;
	s15 =	simm.s32 $0x7680  }
0x5: {  	s16 =	simm.s32 $0x4F00;
	s17 =	simm.s32 $0x3;
	s4 =	sand.u32 $0x1, s0  }
0x6: {  	s18 =	simm.s32 $0x2;
	s0 =	rddreg [dreg:$0x3];
	s6 =	sshll.u32 s4, $0x4  }
0x7: {  	s19 =	simm.s32 $0x0;
	[smem:$0x7FF] =	sst s3;
	s7 =	sor.u32 s10, s6  }
0x8: {  	p0 =	sne.s32 s10, $0x0;
	_ =	strace $0x80000047;
	s7 =	smul.u32 $0x2710, s7  }
0x9: {  	s8 =	ssub.s32 $0x2, s4;
	s4 =	sadd.s32 $0x16000, s5;
	s12 =	sshrl.u32 @!p0 s2, $0x3  }
0xa: {  	s9 =	sshrl.u32 s8, $0x1;
	s11 =	sadd.s32 s6, s5;
	s7 =	sshrl.u32 s7, $0x3  }
0xb: {  	s10 =	simm.s32 $0x2780;
	s9 =	ssub.s32 s8, s9;
	s7 =	sadd.s32 s7, s5  }
0xc: {  	s8 =	sadd.s32 $0x17000, s11;
	s9 =	smax.u32 s9, $0x1;
	s5 =	sadd.s32 $0x2600, s7  }
0xd: {  	v0 =	vimm.f32 $1.000000000e+00;
	v1 =	vimm.f32 $0.0e+00;
	s6 =	sadd.s32 $0xC240, s7;
	s7 =	sadd.s32 $0x16600, s11;
	s11 =	sshrl.u32 @!p0 s1, $0x3  }
.LBB2_1:
0xe: {  	[tilespmem:s3], [sflag:$0x1] =	stream.linear.gather [hbm4b:s5+s3], $0x2710, $0x38;
	[tilespmem:$0xA2F0] =	vst v63  }
0xf: {  	s20 =	simm.s32 @!p0 $0x1C03;
	s21 =	simm.s32 @!p0 $0x3  }
0x10: {  	[tilespmem:s10], [sflag:$0x1] =	stream.linear.gather [hbm4b:s6+s3], $0x2710, $0x38;
	[tilespmem:$0xA2F0] =	vst v63  }
0x11: {  	[spmem:s11], [sflag:s20] =	dma.local @!p0 [hbm:s4], $0x4F0  }
0x12: {  	_ =	swait.ge @!p0 [sflag:s21], $0x4F0  }
0x13: {  	[sflag:s21] =	ssyncset.done @!p0 $0x0  }
0x14: {  	[sflag:s21] =	ssyncadd.s32 @!p0 $0xFFFFFB10  }
0x15: {  	[spmem:s12], [sflag:s20] =	dma.local @!p0 [hbm:s4], $0x4F0  }
0x16: {  	_ =	swait.ge @!p0 [sflag:s21], $0x4F0  }
0x17: {  	[sflag:s21] =	ssyncset.done @!p0 $0x0  }
0x18: {  	s20 =	simm.s32 $0x40;
	[sflag:s21] =	ssyncadd.s32 @!p0 $0xFFFFFB10;
	s21 =	simm.s32 $0x0  }
.LBB2_2:
0x19: {  	p1 =	sne.s32 s20, $0x9C00;
	[tilespmem:s21+$0x7680] =	vst v0;
	s21 =	smov.u32 s20;
	s20 =	sadd.s32 $0x40, s20  }
.Ltmp0:
0x1a: {  	(pc) =	sbr.rel @p1 .LBB2_2-.Ltmp0, $2  }
0x1b: {  	_ =	sdelay $0x2  }
0x1c: {  	s21 =	sshra.s32 s21, $0x2  }
0x1d: {  	[tilespmem:s21+$0x7680] =	vst v0  }
0x1e: {  	_ =	swait.ge [sflag:s13], $0x2710  }
0x1f: {  	[sflag:s13] =	ssyncset.done $0x0  }
0x20: {  	[sflag:s13] =	ssyncadd.s32 $0xFFFFD8F0  }
0x21: {  	_ =	swait.ge [sflag:s13], $0x2710  }
0x22: {  	[sflag:s13] =	ssyncset.done $0x0  }
0x23: {  	[sflag:s13] =	ssyncadd.s32 $0xFFFFD8F0  }
0x24: {  	s20 =	simm.s32 $0x0;
	[bflag:$0x0] =	sbarrier.arrive $0xFFFF  }
0x25: {  	[spmem:s1] =	stream.indirect.scatter.add.f32 [tilespmem:s15], [sflag:$0x2], $0x1, s10, s14, $0xb8;
	[tilespmem:$0xA2F0] =	vst v63  }
0x26: {  	v2 =	vld [tilespmem:s20+$0x2780]  }
0x27: {  	s21 =	simm.s32 $0x40  }
.LBB2_4:
0x28: {  	p1 =	sne.s32 s21, $0x9C00  }
.Ltmp1:
0x29: {  	_ = 	snop;
	(pc) =	sbr.rel @p1 .LBB2_4-.Ltmp1, $4  }
0x2a: {  	_ = 	snop  }
0x2b: {  	s22 =	sshra.s32 s21, $0x2;
	s21 =	sadd.s32 $0x40, s21;
	vm0 =	veq.s32 v2, $0x0  }
0x2c: {  	v2 =	vld [tilespmem:s22+$0x2780];
	v3 =	vsel vm0, $0x3F800000, v1  }
0x2d: {  	[tilespmem:s20+$0x4F00] =	vst v3;
	s20 =	smov.u32 s22  }
0x2e: {  	_ =	sdelay $0x2  }
0x2f: {  	vm0 =	veq.s32 v2, $0x0  }
0x30: {  	v2 =	vsel vm0, $0x3F800000, v1  }
0x31: {  	[tilespmem:s20+$0x4F00] =	vst v2  }
0x32: {  	[spmem:s2] =	stream.indirect.scatter.add.f32 [tilespmem:s16], [sflag:$0x3], $0x1, s3, s14, $0xb8;
	[tilespmem:$0xA2F0] =	vst v63  }
0x33: {  	_ =	swait.ge [sflag:s17], $0x2710  }
0x34: {  	[sflag:s17] =	ssyncset.done $0x0  }
0x35: {  	[sflag:s17] =	ssyncadd.s32 $0xFFFFD8F0  }
0x36: {  	_ =	swait.ge [sflag:s18], $0x2710  }
0x37: {  	s21 =	simm.s32 @!p0 $0x20;
	[sflag:s18] =	ssyncset.done $0x0  }
0x38: {  	s22 =	simm.s32 @!p0 $0x10;
	s23 =	simm.s32 @!p0 $0x1C03;
	[sflag:s18] =	ssyncadd.s32 $0xFFFFD8F0  }
0x39: {  	s24 =	simm.s32 @!p0 $0x3;
	s20 =	simm.s32 @!p0 $0x1;
	[bflag:$0x0] =	sbarrier.arrive $0xFFFF  }
0x3a: {  	[hbm:s7@s21], [sflag:s23] =	dma.strided @!p0 [spmem:s11@s22], $0x4F0, s20, $0x10   }
0x3b: {  	s19 =	sadd.s32 $0x1, s19;
	_ =	swait.ge @!p0 [sflag:s24], $0x4F0  }
0x3c: {  	p1 =	sne.s32 s19, s9;
	[sflag:s24] =	ssyncset.done @!p0 $0x0  }
.Ltmp2:
0x3d: {  	[sflag:s24] =	ssyncadd.s32 @!p0 $0xFFFFFB10;
	(pc) =	sbr.rel @p1 .LBB2_1-.Ltmp2, $4  }
0x3e: {  	[hbm:s8@s21], [sflag:s23] =	dma.strided @!p0 [spmem:s12@s22], $0x4F0, s20, $0x10   }
0x3f: {  	_ =	swait.ge @!p0 [sflag:s24], $0x4F0  }
0x40: {  	[sflag:s24] =	ssyncset.done @!p0 $0x0  }
0x41: {  	[sflag:s24] =	ssyncadd.s32 @!p0 $0xFFFFFB10  }
0x42: {  	_ =	sfence.sel $0x180000  }
0x43: {  	[bflag:$0x0] =	sbarrier.arrive $0xFFFF  }
0x44: {  	_ =	strace $0x90000047  }
0x45: {  	s0 =	sadd.s32 @!p0 $0x100000, s0;
	[bflag:$0x2] =	sbarrier.arrive $0xFFFF  }
0x46: {  	[sflag:s0] =	ssyncadd.tile.s32 @!p0 $0x1;
	_ =	shalt  }
.Lfunc_end2:
_tile_overlayer_lowered:
.L_overlay_start_2:
0x47: {  	(tag) =	ssettag $0x2  }
0x48: {  	s0 =	rddreg [dreg:$0x0];
	s2 =	stileid.u32  }
0x49: {  	s1 =	rddreg [dreg:$0x1];
	p0 =	sne.s32 s2, $0x0  }
0x4a: {  	s3 =	rddreg [dreg:$0x2];
	[bflag:$0x3] =	sbarrier.arrive $0xFFFF;
	s2 =	simm.s32 @!p0 $0x1C03  }
0x4b: {  	[timem:s3], [sflag:s2] =	dma.local @!p0 [hbm:s0], s1  }
0x4c: {  	s0 =	simm.s32 @!p0 $0x3  }
0x4d: {  	_ =	swait.ge @!p0 [sflag:s0], s1  }
0x4e: {  	s1 =	ssub.s32 @!p0 $0x0, s1;
	[sflag:s0] =	ssyncset.done @!p0 $0x0  }
0x4f: {  	[sflag:s0] =	ssyncadd.s32 @!p0 s1  }
0x50: {  	[bflag:$0x3] =	sbarrier.arrive $0xFFFF  }
0x51: {  	_ =	shalt  }

</sc_bundles>
